<compile_context>
chip_gen: v7x
topology: tpu7x:2x2x1
jax: 0.10.2.dev20260603
libtpu: 0.0.44.dev20260713+nightly
codegen_flags: <defaults>
</compile_context>

<pallas_src>
import jax
import jax.numpy as jnp
from jax.experimental import pallas as pl
from jax.experimental.pallas import tpu as pltpu

_B, _L, _C, _H = 64, 576, 384, 24
_OVERLAP, _NUM_VQS = 4, 6
_CB_DIM, _CB_SIZE = 256, 8192
_W_SP = _L // _H
_T = _W_SP // _OVERLAP
_FIX_DIM = _H * _C
_GROUP_DIM = (_OVERLAP * _FIX_DIM) // _NUM_VQS
_ROWS = _B * _T
_EPS = 1e-12
_NUM_KT = 4
_K_TILE = _CB_SIZE // _NUM_KT
_CHUNK = _GROUP_DIM // _NUM_KT
_LOSS_SCALE = 1.0 / (_T * _CB_DIM * _NUM_VQS)


def _body(zp_ref, win_ref, cb_ref, wout_ref, o_ref, loss_ref,
          zen_cur, zen_next, zq_ref, zq_prev, best_ref):
    g = pl.program_id(0)
    k = pl.program_id(1)
    last = _NUM_KT - 1

    @pl.when(g >= 2)
    def _():
        w = wout_ref[0]
        o_ref[...] = jnp.dot(zq_prev[...].astype(jnp.bfloat16), w,
                             preferred_element_type=jnp.float32)

    @pl.when((g >= 1) & (g <= _NUM_VQS))
    def _():
        zen = zen_cur[...]
        tile = cb_ref[0]
        rn = jnp.sqrt(jnp.sum(tile * tile, axis=1, keepdims=True))
        tile_n = tile / (rn + _EPS)
        sim = jax.lax.dot_general(
            zen, tile_n, (((1,), (1,)), ((), ())),
            preferred_element_type=jnp.float32)
        m = jnp.max(sim, axis=1, keepdims=True)
        lane = jax.lax.broadcasted_iota(jnp.int32, (_ROWS, _K_TILE), 1)
        big = jnp.int32(2**30)
        loc = jnp.min(jnp.where(sim == m, lane, big), axis=1, keepdims=True)
        onehot = (lane == loc).astype(jnp.bfloat16)
        zq_tile = jnp.dot(onehot, tile_n.astype(jnp.bfloat16),
                          preferred_element_type=jnp.float32)

        @pl.when(k == 0)
        def _():
            best_ref[...] = m
            zq_ref[...] = zq_tile

        @pl.when(k > 0)
        def _():
            upd = m > best_ref[...]
            best_ref[...] = jnp.where(upd, m, best_ref[...])
            zq_ref[...] = jnp.where(upd, zq_tile, zq_ref[...])

        @pl.when(k == last)
        def _():
            rs = 2.0 - 2.0 * best_ref[...][:, 0]
            lane2 = jax.lax.broadcasted_iota(jnp.int32, (_B, _ROWS), 1)
            sub = jax.lax.broadcasted_iota(jnp.int32, (_B, _ROWS), 0)
            mask = (lane2 // _T) == sub
            contrib = jnp.sum(jnp.where(mask, rs[None, :], 0.0), axis=1)
            contrib = contrib * _LOSS_SCALE

            @pl.when(g == 1)
            def _():
                loss_ref[0] = contrib

            @pl.when(g > 1)
            def _():
                loss_ref[0] = loss_ref[0] + contrib

            zq_prev[...] = zq_ref[...]

    @pl.when(g < _NUM_VQS)
    def _():
        x = zp_ref[...]
        w = win_ref[0]
        prod = jnp.dot(x, w, preferred_element_type=jnp.float32)

        @pl.when(k == 0)
        def _():
            zen_next[...] = prod

        @pl.when(k > 0)
        def _():
            zen_next[...] = zen_next[...] + prod

        @pl.when(k == last)
        def _():
            ze = zen_next[...]
            n = jnp.sqrt(jnp.sum(ze * ze, axis=1, keepdims=True))
            zen_cur[...] = ze / (n + _EPS)


def kernel(z, Win, codebooks, Wout):
    z4 = z.reshape(_B, _H, _W_SP, _C)
    zt = jnp.transpose(z4, (0, 2, 3, 1)).reshape(_B, _T, _OVERLAP * _FIX_DIM)
    zp = zt.reshape(_ROWS, _NUM_VQS * _GROUP_DIM)
    wout_bf16 = Wout.astype(jnp.bfloat16)

    nv, nk, last = _NUM_VQS, _NUM_KT, _NUM_KT - 1

    def zp_idx(g, k):
        return (0, jnp.where(g < nv, g * nk + k, nv * nk - 1))

    def win_idx(g, k):
        return (jnp.minimum(g, nv - 1), jnp.where(g < nv, k, last), 0)

    def cb_idx(g, k):
        gs = jnp.clip(g - 1, 0, nv - 1)
        return (gs, jnp.where((g >= 1) & (g <= nv), k, 0), 0)

    def wout_idx(g, k):
        gb = jnp.clip(g - 2, 0, nv - 1)
        return (gb, 0, jnp.where(g >= 2, k, 0))

    def out_idx(g, k):
        gb = jnp.clip(g - 2, 0, nv - 1)
        return (0, jnp.where(g >= 2, gb * nk + k, 0))

    zq_cols, loss = pl.pallas_call(
        _body,
        grid=(nv + 2, nk),
        in_specs=[
            pl.BlockSpec((_ROWS, _CHUNK), zp_idx),
            pl.BlockSpec((1, _CHUNK, _CB_DIM), win_idx),
            pl.BlockSpec((1, _K_TILE, _CB_DIM), cb_idx),
            pl.BlockSpec((1, _CB_DIM, _CHUNK), wout_idx),
        ],
        out_specs=[
            pl.BlockSpec((_ROWS, _CHUNK), out_idx),
            pl.BlockSpec((1, _B), lambda g, k: (0, 0)),
        ],
        out_shape=[
            jax.ShapeDtypeStruct((_ROWS, _NUM_VQS * _GROUP_DIM), jnp.float32),
            jax.ShapeDtypeStruct((1, _B), jnp.float32),
        ],
        scratch_shapes=[
            pltpu.VMEM((_ROWS, _CB_DIM), jnp.float32),
            pltpu.VMEM((_ROWS, _CB_DIM), jnp.float32),
            pltpu.VMEM((_ROWS, _CB_DIM), jnp.float32),
            pltpu.VMEM((_ROWS, _CB_DIM), jnp.float32),
            pltpu.VMEM((_ROWS, 1), jnp.float32),
        ],
    )(zp, Win, codebooks, wout_bf16)

    zq2 = zq_cols.reshape(_B, _W_SP, _C, _H)
    out = jnp.transpose(zq2, (0, 3, 1, 2)).reshape(_B, _L, _C)
    lossv = loss.reshape(_B)
    return out, lossv, lossv

# --- scband reference (transcript-rebuilt; emitter-appended) ---
"""Pipeline reference for scband-group-vq-88210038325339 (READ-ONLY COPY).

The authoritative reference and input builder live on the scoring server;
editing this copy changes nothing except your own understanding.
"""

import jax, jax.numpy as jnp
import numpy as np

B, L, C, H = 64, 576, 384, 24
OVERLAP, NUM_VQS = 4, 6
CB_DIM, CB_SIZE = 256, 8192
W_SP = L // H
FIX_DIM = H * C
GROUP_DIM = (OVERLAP * FIX_DIM) // NUM_VQS


def l2norm(x, eps=1e-12):
    return x / (jnp.linalg.norm(x, axis=-1, keepdims=True) + eps)


def setup_inputs(seed: int = 0):
    key = jax.random.key(seed)
    k0, k1, k2, k3 = jax.random.split(key, 4)
    z = jax.random.normal(k0, (B, L, C), dtype=jnp.float32)
    Win = jax.random.normal(k1, (NUM_VQS, GROUP_DIM, CB_DIM), dtype=jnp.float32) / np.sqrt(GROUP_DIM)
    codebooks = jax.random.normal(k2, (NUM_VQS, CB_SIZE, CB_DIM), dtype=jnp.float32)
    Wout = jax.random.normal(k3, (NUM_VQS, CB_DIM, GROUP_DIM), dtype=jnp.float32) / np.sqrt(CB_DIM)
    return {"z": z, "Win": Win, "codebooks": codebooks, "Wout": Wout}


def _pre_process(z):
    # einops: 'b (h w) c -> b w (c h)', h=H
    z4 = z.reshape(B, H, W_SP, C)
    zt = jnp.transpose(z4, (0, 2, 3, 1)).reshape(B, W_SP, C * H)
    # overlap folding: (B, W, fix_dim) -> (B, W//overlap, overlap*fix_dim)
    zt = zt.reshape(B, W_SP // OVERLAP, OVERLAP * FIX_DIM)
    return zt


def _post_process(z_q):
    z_q = z_q.reshape(B, -1, OVERLAP, FIX_DIM).reshape(B, -1, FIX_DIM)
    # einops: 'b w (c h) -> b (h w) c', h=H
    t = z_q.reshape(B, W_SP, C, H)
    out = jnp.transpose(t, (0, 3, 1, 2)).reshape(B, H * W_SP, C)
    return out


def _codebook(z_i, Win_i, cb_i, Wout_i):
    # cosine-sim VQ codebook: project -> normalize -> nearest code -> ST estimator -> project back
    z_e = z_i @ Win_i
    z_e_n = l2norm(z_e)
    cb_n = l2norm(cb_i)
    sim = jnp.einsum('btd,kd->btk', z_e_n, cb_n)
    idx = jnp.argmax(sim, axis=-1)
    z_q = jnp.take(cb_n, idx, axis=0)
    cm_loss = jnp.mean((z_e_n - jax.lax.stop_gradient(z_q)) ** 2, axis=(1, 2))
    cb_loss = jnp.mean((jax.lax.stop_gradient(z_e_n) - z_q) ** 2, axis=(1, 2))
    z_q_st = z_e_n + jax.lax.stop_gradient(z_q - z_e_n)
    out = z_q_st @ Wout_i
    return out, cm_loss, cb_loss, idx


def reference(z, Win, codebooks, Wout):
    zp = _pre_process(z)
    outs = []
    cm_total = jnp.zeros((B,), dtype=jnp.float32)
    cb_total = jnp.zeros((B,), dtype=jnp.float32)
    s = 0
    for i in range(NUM_VQS):
        e = s + GROUP_DIM
        z_i = zp[:, :, s:e]
        o, cm, cb, _ = _codebook(z_i, Win[i], codebooks[i], Wout[i])
        outs.append(o)
        cm_total = cm_total + cm
        cb_total = cb_total + cb
        s = e
    z_q = jnp.concatenate(outs, axis=-1)
    z_q_out = _post_process(z_q)
    return z_q_out, cm_total / NUM_VQS, cb_total / NUM_VQS

if __name__ == "__main__":
    import jax
    _d = setup_inputs()
    print(jax.jit(kernel)(*tuple(_d.values())))

</pallas_src>

<mosaic_0001>
module attributes {stable_mosaic.version = 14 : i64} {
  func.func @_body(%arg0: i32, %arg1: i32, %arg2: memref<384x1536xf32, #tpu.memory_space<vmem>>, %arg3: memref<1x1536x256xf32, #tpu.memory_space<vmem>>, %arg4: memref<1x2048x256xf32, #tpu.memory_space<vmem>>, %arg5: memref<1x256x1536xbf16, #tpu.memory_space<vmem>>, %arg6: memref<384x1536xf32, #tpu.memory_space<vmem>>, %arg7: memref<1x64xf32, #tpu.memory_space<vmem>>, %arg8: memref<384x256xf32, #tpu.memory_space<vmem>>, %arg9: memref<384x256xf32, #tpu.memory_space<vmem>>, %arg10: memref<384x256xf32, #tpu.memory_space<vmem>>, %arg11: memref<384x256xf32, #tpu.memory_space<vmem>>, %arg12: memref<384x1xf32, #tpu.memory_space<vmem>>) attributes {dimension_semantics = [#tpu.dimension_semantics<arbitrary>, #tpu.dimension_semantics<arbitrary>], iteration_bounds = array<i64: 8, 4>, scalar_prefetch = 0 : i64, scratch_operands = 5 : i64, tpu.core_type = #tpu.core_type<tc>, window_params = [{transform_indices = @transform_0, window_bounds = array<i64: 384, 1536>}, {transform_indices = @transform_1, window_bounds = array<i64: 1, 1536, 256>}, {transform_indices = @transform_2, window_bounds = array<i64: 1, 2048, 256>}, {transform_indices = @transform_3, window_bounds = array<i64: 1, 256, 1536>}, {transform_indices = @transform_4, window_bounds = array<i64: 384, 1536>}, {pipeline_mode = #tpu.pipeline_mode<synchronous>, transform_indices = @transform_5, window_bounds = array<i64: 1, 64>}]} {
    %ge3A = arith.constant 2 : i32
    %ge3A_0 = arith.cmpi sge, %arg0, %ge3A : i32
    %convert_element_type3A = arith.extui %ge3A_0 : i1 to i32
    %cond3A = arith.constant 0 : i32
    %cond3A_1 = arith.cmpi ne, %convert_element_type3A, %cond3A : i32
    scf.if %cond3A_1 {
      %get3A = arith.constant 0 : index
      %get3A_12 = arith.constant 0 : index
      %get3A_13 = arith.constant 0 : index
      %get3A_14 = vector.load %arg5[%get3A, %get3A_12, %get3A_13] : memref<1x256x1536xbf16, #tpu.memory_space<vmem>>, vector<1x256x1536xbf16>
      %get3A_15 = vector.shape_cast %get3A_14 : vector<1x256x1536xbf16> to vector<256x1536xbf16>
      %get3A_16 = arith.constant 0 : index
      %get3A_17 = arith.constant 0 : index
      %get3A_18 = vector.load %arg11[%get3A_16, %get3A_17] : memref<384x256xf32, #tpu.memory_space<vmem>>, vector<384x256xf32>
      %convert_element_type3A_19 = arith.truncf %get3A_18 : vector<384x256xf32> to vector<384x256xbf16>
      %dot_general3A = arith.constant dense<0.000000e+00> : vector<384x1536xf32>
      %dot_general3A_20 = tpu.matmul %convert_element_type3A_19, %get3A_15, %dot_general3A {dimension_numbers = #tpu.dot_dimension_numbers<[1], [0], [0], [1], [0, 0, 1, 1], [], []>, transpose_lhs_hint = false} : vector<384x256xbf16>, vector<256x1536xbf16>, vector<384x1536xf32> -> vector<384x1536xf32>
      %swap3A = arith.constant 0 : index
      %swap3A_21 = arith.constant 0 : index
      %swap3A_22 = vector.load %arg6[%swap3A, %swap3A_21] : memref<384x1536xf32, #tpu.memory_space<vmem>>, vector<384x1536xf32>
      tpu.vector_store %arg6[%swap3A, %swap3A_21], %dot_general3A_20 {strides = array<i32>} : memref<384x1536xf32, #tpu.memory_space<vmem>>, vector<384x1536xf32>,
    } else {
    }
    %ge3A_2 = arith.constant 1 : i32
    %ge3A_3 = arith.cmpi sge, %arg0, %ge3A_2 : i32
    %le3A = arith.constant 6 : i32
    %le3A_4 = arith.cmpi sle, %arg0, %le3A : i32
    %and3A = arith.andi %ge3A_3, %le3A_4 : i1
    %convert_element_type3A_5 = arith.extui %and3A : i1 to i32
    %cond3A_6 = arith.constant 0 : i32
    %cond3A_7 = arith.cmpi ne, %convert_element_type3A_5, %cond3A_6 : i32
    scf.if %cond3A_7 {
      %get3A = arith.constant 0 : index
      %get3A_12 = arith.constant 0 : index
      %get3A_13 = vector.load %arg8[%get3A, %get3A_12] : memref<384x256xf32, #tpu.memory_space<vmem>>, vector<384x256xf32>
      %get3A_14 = arith.constant 0 : index
      %get3A_15 = arith.constant 0 : index
      %get3A_16 = arith.constant 0 : index
      %get3A_17 = vector.load %arg4[%get3A_14, %get3A_15, %get3A_16] : memref<1x2048x256xf32, #tpu.memory_space<vmem>>, vector<1x2048x256xf32>
      %get3A_18 = vector.shape_cast %get3A_17 : vector<1x2048x256xf32> to vector<2048x256xf32>
      %mul3A = arith.mulf %get3A_18, %get3A_18 : vector<2048x256xf32>
      %reduce_sum3A = arith.constant dense<0.000000e+00> : vector<2048xf32>
      %reduce_sum3A_19 = vector.multi_reduction <add>, %mul3A, %reduce_sum3A [1] : vector<2048x256xf32> to vector<2048xf32>
      %broadcast_in_dim3A = vector.shape_cast %reduce_sum3A_19 : vector<2048xf32> to vector<2048x1xf32>
      %sqrt3A = math.sqrt %broadcast_in_dim3A : vector<2048x1xf32>
      %add3A = arith.constant 9.99999996E-13 : f32
      %add3A_20 = vector.broadcast %add3A : f32 to vector<2048x1xf32>
      %add3A_21 = arith.addf %sqrt3A, %add3A_20 : vector<2048x1xf32>
      %div3A = vector.broadcast %add3A_21 : vector<2048x1xf32> to vector<2048x256xf32>
      %div3A_22 = arith.divf %get3A_18, %div3A : vector<2048x256xf32>
      %dot_general3A = arith.constant dense<0.000000e+00> : vector<384x2048xf32>
      %dot_general3A_23 = tpu.matmul %get3A_13, %div3A_22, %dot_general3A {dimension_numbers = #tpu.dot_dimension_numbers<[1], [1], [0], [0], [0, 0, 1, 0], [], []>, transpose_lhs_hint = false} : vector<384x256xf32>, vector<2048x256xf32>, vector<384x2048xf32> -> vector<384x2048xf32>
      %reduce_max3A = arith.constant dense<0xFF800000> : vector<384xf32>
      %reduce_max3A_24 = vector.multi_reduction <maximumf>, %dot_general3A_23, %reduce_max3A [1] : vector<384x2048xf32> to vector<384xf32>
      %broadcast_in_dim3A_25 = vector.shape_cast %reduce_max3A_24 : vector<384xf32> to vector<384x1xf32>
      %iota3A = tpu.iota {dimensions = array<i32: 1>} : vector<384x2048xi32>
      %eq3A = vector.broadcast %broadcast_in_dim3A_25 : vector<384x1xf32> to vector<384x2048xf32>
      %eq3A_26 = arith.cmpf oeq, %dot_general3A_23, %eq3A : vector<384x2048xf32>
      %jit3A = arith.constant 1073741824 : i32
      %broadcast_in_dim3A_27 = vector.broadcast %jit3A : i32 to vector<384x2048xi32>
      %select_n3A = arith.select %eq3A_26, %iota3A, %broadcast_in_dim3A_27 : vector<384x2048xi1>, vector<384x2048xi32>
      %reduce_min3A = arith.constant dense<2147483647> : vector<384xi32>
      %reduce_min3A_28 = vector.multi_reduction <minsi>, %select_n3A, %reduce_min3A [1] : vector<384x2048xi32> to vector<384xi32>
      %broadcast_in_dim3A_29 = vector.shape_cast %reduce_min3A_28 : vector<384xi32> to vector<384x1xi32>
      %eq3A_30 = vector.broadcast %broadcast_in_dim3A_29 : vector<384x1xi32> to vector<384x2048xi32>
      %eq3A_31 = arith.cmpi eq, %iota3A, %eq3A_30 : vector<384x2048xi32>
      %convert_element_type3A_32 = arith.extui %eq3A_31 : vector<384x2048xi1> to vector<384x2048xi32>
      %convert_element_type3A_33 = arith.sitofp %convert_element_type3A_32 : vector<384x2048xi32> to vector<384x2048xf32>
      %convert_element_type3A_34 = arith.truncf %convert_element_type3A_33 : vector<384x2048xf32> to vector<384x2048xbf16>
      %convert_element_type3A_35 = arith.truncf %div3A_22 : vector<2048x256xf32> to vector<2048x256xbf16>
      %dot_general3A_36 = arith.constant dense<0.000000e+00> : vector<384x256xf32>
      %dot_general3A_37 = tpu.matmul %convert_element_type3A_34, %convert_element_type3A_35, %dot_general3A_36 {dimension_numbers = #tpu.dot_dimension_numbers<[1], [0], [0], [1], [0, 0, 1, 1], [], []>, transpose_lhs_hint = false} : vector<384x2048xbf16>, vector<2048x256xbf16>, vector<384x256xf32> -> vector<384x256xf32>
      %eq3A_38 = arith.constant 0 : i32
      %eq3A_39 = arith.cmpi eq, %arg1, %eq3A_38 : i32
      %convert_element_type3A_40 = arith.extui %eq3A_39 : i1 to i32
      %cond3A_41 = arith.constant 0 : i32
      %cond3A_42 = arith.cmpi ne, %convert_element_type3A_40, %cond3A_41 : i32
      scf.if %cond3A_42 {
        %swap3A = arith.constant 0 : index
        %swap3A_52 = arith.constant 0 : index
        %swap3A_53 = vector.load %arg12[%swap3A, %swap3A_52] : memref<384x1xf32, #tpu.memory_space<vmem>>, vector<384x1xf32>
        tpu.vector_store %arg12[%swap3A, %swap3A_52], %broadcast_in_dim3A_25 {strides = array<i32>} : memref<384x1xf32, #tpu.memory_space<vmem>>, vector<384x1xf32>,
        %swap3A_54 = arith.constant 0 : index
        %swap3A_55 = arith.constant 0 : index
        %swap3A_56 = vector.load %arg10[%swap3A_54, %swap3A_55] : memref<384x256xf32, #tpu.memory_space<vmem>>, vector<384x256xf32>
        tpu.vector_store %arg10[%swap3A_54, %swap3A_55], %dot_general3A_37 {strides = array<i32>} : memref<384x256xf32, #tpu.memory_space<vmem>>, vector<384x256xf32>,
      } else {
      }
      %gt3A = arith.constant 0 : i32
      %gt3A_43 = arith.cmpi sgt, %arg1, %gt3A : i32
      %convert_element_type3A_44 = arith.extui %gt3A_43 : i1 to i32
      %cond3A_45 = arith.constant 0 : i32
      %cond3A_46 = arith.cmpi ne, %convert_element_type3A_44, %cond3A_45 : i32
      scf.if %cond3A_46 {
        %get3A_52 = arith.constant 0 : index
        %get3A_53 = arith.constant 0 : index
        %get3A_54 = vector.load %arg12[%get3A_52, %get3A_53] : memref<384x1xf32, #tpu.memory_space<vmem>>, vector<384x1xf32>
        %gt3A_55 = arith.cmpf ogt, %broadcast_in_dim3A_25, %get3A_54 : vector<384x1xf32>
        %get3A_56 = arith.constant 0 : index
        %get3A_57 = arith.constant 0 : index
        %get3A_58 = vector.load %arg12[%get3A_56, %get3A_57] : memref<384x1xf32, #tpu.memory_space<vmem>>, vector<384x1xf32>
        %select_n3A_59 = arith.select %gt3A_55, %broadcast_in_dim3A_25, %get3A_58 : vector<384x1xi1>, vector<384x1xf32>
        %swap3A = arith.constant 0 : index
        %swap3A_60 = arith.constant 0 : index
        %swap3A_61 = vector.load %arg12[%swap3A, %swap3A_60] : memref<384x1xf32, #tpu.memory_space<vmem>>, vector<384x1xf32>
        tpu.vector_store %arg12[%swap3A, %swap3A_60], %select_n3A_59 {strides = array<i32>} : memref<384x1xf32, #tpu.memory_space<vmem>>, vector<384x1xf32>,
        %get3A_62 = arith.constant 0 : index
        %get3A_63 = arith.constant 0 : index
        %get3A_64 = vector.load %arg10[%get3A_62, %get3A_63] : memref<384x256xf32, #tpu.memory_space<vmem>>, vector<384x256xf32>
        %broadcast_in_dim3A_65 = vector.shape_cast %gt3A_55 : vector<384x1xi1> to vector<384x1xi1>
        %broadcast_in_dim3A_66 = vector.broadcast %broadcast_in_dim3A_65 : vector<384x1xi1> to vector<384x256xi1>
        %select_n3A_67 = arith.select %broadcast_in_dim3A_66, %dot_general3A_37, %get3A_64 : vector<384x256xi1>, vector<384x256xf32>
        %swap3A_68 = arith.constant 0 : index
        %swap3A_69 = arith.constant 0 : index
        %swap3A_70 = vector.load %arg10[%swap3A_68, %swap3A_69] : memref<384x256xf32, #tpu.memory_space<vmem>>, vector<384x256xf32>
        tpu.vector_store %arg10[%swap3A_68, %swap3A_69], %select_n3A_67 {strides = array<i32>} : memref<384x256xf32, #tpu.memory_space<vmem>>, vector<384x256xf32>,
      } else {
      }
      %eq3A_47 = arith.constant 3 : i32
      %eq3A_48 = arith.cmpi eq, %arg1, %eq3A_47 : i32
      %convert_element_type3A_49 = arith.extui %eq3A_48 : i1 to i32
      %cond3A_50 = arith.constant 0 : i32
      %cond3A_51 = arith.cmpi ne, %convert_element_type3A_49, %cond3A_50 : i32
      scf.if %cond3A_51 {
        %get3A_52 = arith.constant 0 : index
        %get3A_53 = arith.constant 0 : index
        %get3A_54 = vector.load %arg12[%get3A_52, %get3A_53] : memref<384x1xf32, #tpu.memory_space<vmem>>, vector<384x1xf32>
        %squeeze3A = vector.shape_cast %get3A_54 : vector<384x1xf32> to vector<384xf32>
        %mul3A_55 = arith.constant 2.000000e+00 : f32
        %mul3A_56 = vector.broadcast %mul3A_55 : f32 to vector<384xf32>
        %mul3A_57 = arith.mulf %mul3A_56, %squeeze3A : vector<384xf32>
        %sub3A = arith.constant 2.000000e+00 : f32
        %sub3A_58 = vector.broadcast %sub3A : f32 to vector<384xf32>
        %sub3A_59 = arith.subf %sub3A_58, %mul3A_57 : vector<384xf32>
        %iota3A_60 = tpu.iota {dimensions = array<i32: 1>} : vector<64x384xi32>
        %iota3A_61 = tpu.iota {dimensions = array<i32: 0>} : vector<64x384xi32>
        %jit3A_62 = arith.constant 6 : i32
        %div3A_63 = vector.broadcast %jit3A_62 : i32 to vector<64x384xi32>
        %div3A_64 = arith.divsi %iota3A_60, %div3A_63 : vector<64x384xi32>
        %sign3A = arith.constant 0 : i32
        %sign3A_65 = vector.broadcast %sign3A : i32 to vector<64x384xi32>
        %sign3A_66 = arith.cmpi sgt, %iota3A_60, %sign3A_65 : vector<64x384xi32>
        %sign3A_67 = arith.extui %sign3A_66 : vector<64x384xi1> to vector<64x384xi32>
        %sign3A_68 = arith.constant 0 : i32
        %sign3A_69 = vector.broadcast %sign3A_68 : i32 to vector<64x384xi32>
        %sign3A_70 = arith.cmpi slt, %iota3A_60, %sign3A_69 : vector<64x384xi32>
        %sign3A_71 = arith.extui %sign3A_70 : vector<64x384xi1> to vector<64x384xi32>
        %sign3A_72 = arith.subi %sign3A_67, %sign3A_71 : vector<64x384xi32>
        %sign3A_73 = arith.constant 0 : i32
        %sign3A_74 = arith.cmpi sgt, %jit3A_62, %sign3A_73 : i32
        %sign3A_75 = arith.extui %sign3A_74 : i1 to i32
        %sign3A_76 = arith.constant 0 : i32
        %sign3A_77 = arith.cmpi slt, %jit3A_62, %sign3A_76 : i32
        %sign3A_78 = arith.extui %sign3A_77 : i1 to i32
        %sign3A_79 = arith.subi %sign3A_75, %sign3A_78 : i32
        %ne3A = vector.broadcast %sign3A_79 : i32 to vector<64x384xi32>
        %ne3A_80 = arith.cmpi ne, %sign3A_72, %ne3A : vector<64x384xi32>
        %rem3A = vector.broadcast %jit3A_62 : i32 to vector<64x384xi32>
        %rem3A_81 = arith.remsi %iota3A_60, %rem3A : vector<64x384xi32>
        %ne3A_82 = arith.constant 0 : i32
        %ne3A_83 = vector.broadcast %ne3A_82 : i32 to vector<64x384xi32>
        %ne3A_84 = arith.cmpi ne, %rem3A_81, %ne3A_83 : vector<64x384xi32>
        %and3A_85 = arith.andi %ne3A_80, %ne3A_84 : vector<64x384xi1>
        %sub3A_86 = arith.constant 1 : i32
        %sub3A_87 = vector.broadcast %sub3A_86 : i32 to vector<64x384xi32>
        %sub3A_88 = arith.subi %div3A_64, %sub3A_87 : vector<64x384xi32>
        %select_n3A_89 = arith.select %and3A_85, %sub3A_88, %div3A_64 : vector<64x384xi1>, vector<64x384xi32>
        %eq3A_90 = arith.cmpi eq, %select_n3A_89, %iota3A_61 : vector<64x384xi32>
        %broadcast_in_dim3A_91 = vector.shape_cast %sub3A_59 : vector<384xf32> to vector<1x384xf32>
        %jit3A_92 = arith.constant 0.000000e+00 : f32
        %broadcast_in_dim3A_93 = vector.shape_cast %broadcast_in_dim3A_91 : vector<1x384xf32> to vector<1x384xf32>
        %broadcast_in_dim3A_94 = vector.broadcast %broadcast_in_dim3A_93 : vector<1x384xf32> to vector<64x384xf32>
        %broadcast_in_dim3A_95 = vector.broadcast %jit3A_92 : f32 to vector<64x384xf32>
        %select_n3A_96 = arith.select %eq3A_90, %broadcast_in_dim3A_94, %broadcast_in_dim3A_95 : vector<64x384xi1>, vector<64x384xf32>
        %reduce_sum3A_97 = arith.constant dense<0.000000e+00> : vector<64xf32>
        %reduce_sum3A_98 = vector.multi_reduction <add>, %select_n3A_96, %reduce_sum3A_97 [1] : vector<64x384xf32> to vector<64xf32>
        %mul3A_99 = arith.constant 1.08506945E-4 : f32
        %mul3A_100 = vector.broadcast %mul3A_99 : f32 to vector<64xf32>
        %mul3A_101 = arith.mulf %reduce_sum3A_98, %mul3A_100 : vector<64xf32>
        %eq3A_102 = arith.constant 1 : i32
        %eq3A_103 = arith.cmpi eq, %arg0, %eq3A_102 : i32
        %convert_element_type3A_104 = arith.extui %eq3A_103 : i1 to i32
        %cond3A_105 = arith.constant 0 : i32
        %cond3A_106 = arith.cmpi ne, %convert_element_type3A_104, %cond3A_105 : i32
        scf.if %cond3A_106 {
          %swap3A_117 = arith.constant 0 : index
          %swap3A_118 = arith.constant 0 : index
          %swap3A_119 = vector.load %arg7[%swap3A_117, %swap3A_118] : memref<1x64xf32, #tpu.memory_space<vmem>>, vector<1x64xf32>
          %swap3A_120 = vector.shape_cast %swap3A_119 : vector<1x64xf32> to vector<64xf32>
          %swap3A_121 = vector.shape_cast %mul3A_101 : vector<64xf32> to vector<1x64xf32>
          tpu.vector_store %arg7[%swap3A_117, %swap3A_118], %swap3A_121 {strides = array<i32>} : memref<1x64xf32, #tpu.memory_space<vmem>>, vector<1x64xf32>,
        } else {
        }
        %gt3A_107 = arith.constant 1 : i32
        %gt3A_108 = arith.cmpi sgt, %arg0, %gt3A_107 : i32
        %convert_element_type3A_109 = arith.extui %gt3A_108 : i1 to i32
        %cond3A_110 = arith.constant 0 : i32
        %cond3A_111 = arith.cmpi ne, %convert_element_type3A_109, %cond3A_110 : i32
        scf.if %cond3A_111 {
          %get3A_117 = arith.constant 0 : index
          %get3A_118 = arith.constant 0 : index
          %get3A_119 = vector.load %arg7[%get3A_117, %get3A_118] : memref<1x64xf32, #tpu.memory_space<vmem>>, vector<1x64xf32>
          %get3A_120 = vector.shape_cast %get3A_119 : vector<1x64xf32> to vector<64xf32>
          %add3A_121 = arith.addf %get3A_120, %mul3A_101 : vector<64xf32>
          %swap3A_122 = arith.constant 0 : index
          %swap3A_123 = arith.constant 0 : index
          %swap3A_124 = vector.load %arg7[%swap3A_122, %swap3A_123] : memref<1x64xf32, #tpu.memory_space<vmem>>, vector<1x64xf32>
          %swap3A_125 = vector.shape_cast %swap3A_124 : vector<1x64xf32> to vector<64xf32>
          %swap3A_126 = vector.shape_cast %add3A_121 : vector<64xf32> to vector<1x64xf32>
          tpu.vector_store %arg7[%swap3A_122, %swap3A_123], %swap3A_126 {strides = array<i32>} : memref<1x64xf32, #tpu.memory_space<vmem>>, vector<1x64xf32>,
        } else {
        }
        %get3A_112 = arith.constant 0 : index
        %get3A_113 = arith.constant 0 : index
        %get3A_114 = vector.load %arg10[%get3A_112, %get3A_113] : memref<384x256xf32, #tpu.memory_space<vmem>>, vector<384x256xf32>
        %swap3A = arith.constant 0 : index
        %swap3A_115 = arith.constant 0 : index
        %swap3A_116 = vector.load %arg11[%swap3A, %swap3A_115] : memref<384x256xf32, #tpu.memory_space<vmem>>, vector<384x256xf32>
        tpu.vector_store %arg11[%swap3A, %swap3A_115], %get3A_114 {strides = array<i32>} : memref<384x256xf32, #tpu.memory_space<vmem>>, vector<384x256xf32>,
      } else {
      }
    } else {
    }
    %lt3A = arith.constant 6 : i32
    %lt3A_8 = arith.cmpi slt, %arg0, %lt3A : i32
    %convert_element_type3A_9 = arith.extui %lt3A_8 : i1 to i32
    %cond3A_10 = arith.constant 0 : i32
    %cond3A_11 = arith.cmpi ne, %convert_element_type3A_9, %cond3A_10 : i32
    scf.if %cond3A_11 {
      %get3A = arith.constant 0 : index
      %get3A_12 = arith.constant 0 : index
      %get3A_13 = vector.load %arg2[%get3A, %get3A_12] : memref<384x1536xf32, #tpu.memory_space<vmem>>, vector<384x1536xf32>
      %get3A_14 = arith.constant 0 : index
      %get3A_15 = arith.constant 0 : index
      %get3A_16 = arith.constant 0 : index
      %get3A_17 = vector.load %arg3[%get3A_14, %get3A_15, %get3A_16] : memref<1x1536x256xf32, #tpu.memory_space<vmem>>, vector<1x1536x256xf32>
      %get3A_18 = vector.shape_cast %get3A_17 : vector<1x1536x256xf32> to vector<1536x256xf32>
      %dot_general3A = arith.constant dense<0.000000e+00> : vector<384x256xf32>
      %dot_general3A_19 = tpu.matmul %get3A_13, %get3A_18, %dot_general3A {dimension_numbers = #tpu.dot_dimension_numbers<[1], [0], [0], [1], [0, 0, 1, 1], [], []>, transpose_lhs_hint = false} : vector<384x1536xf32>, vector<1536x256xf32>, vector<384x256xf32> -> vector<384x256xf32>
      %eq3A = arith.constant 0 : i32
      %eq3A_20 = arith.cmpi eq, %arg1, %eq3A : i32
      %convert_element_type3A_21 = arith.extui %eq3A_20 : i1 to i32
      %cond3A_22 = arith.constant 0 : i32
      %cond3A_23 = arith.cmpi ne, %convert_element_type3A_21, %cond3A_22 : i32
      scf.if %cond3A_23 {
        %swap3A = arith.constant 0 : index
        %swap3A_33 = arith.constant 0 : index
        %swap3A_34 = vector.load %arg9[%swap3A, %swap3A_33] : memref<384x256xf32, #tpu.memory_space<vmem>>, vector<384x256xf32>
        tpu.vector_store %arg9[%swap3A, %swap3A_33], %dot_general3A_19 {strides = array<i32>} : memref<384x256xf32, #tpu.memory_space<vmem>>, vector<384x256xf32>,
      } else {
      }
      %gt3A = arith.constant 0 : i32
      %gt3A_24 = arith.cmpi sgt, %arg1, %gt3A : i32
      %convert_element_type3A_25 = arith.extui %gt3A_24 : i1 to i32
      %cond3A_26 = arith.constant 0 : i32
      %cond3A_27 = arith.cmpi ne, %convert_element_type3A_25, %cond3A_26 : i32
      scf.if %cond3A_27 {
        %get3A_33 = arith.constant 0 : index
        %get3A_34 = arith.constant 0 : index
        %get3A_35 = vector.load %arg9[%get3A_33, %get3A_34] : memref<384x256xf32, #tpu.memory_space<vmem>>, vector<384x256xf32>
        %add3A = arith.addf %get3A_35, %dot_general3A_19 : vector<384x256xf32>
        %swap3A = arith.constant 0 : index
        %swap3A_36 = arith.constant 0 : index
        %swap3A_37 = vector.load %arg9[%swap3A, %swap3A_36] : memref<384x256xf32, #tpu.memory_space<vmem>>, vector<384x256xf32>
        tpu.vector_store %arg9[%swap3A, %swap3A_36], %add3A {strides = array<i32>} : memref<384x256xf32, #tpu.memory_space<vmem>>, vector<384x256xf32>,
      } else {
      }
      %eq3A_28 = arith.constant 3 : i32
      %eq3A_29 = arith.cmpi eq, %arg1, %eq3A_28 : i32
      %convert_element_type3A_30 = arith.extui %eq3A_29 : i1 to i32
      %cond3A_31 = arith.constant 0 : i32
      %cond3A_32 = arith.cmpi ne, %convert_element_type3A_30, %cond3A_31 : i32
      scf.if %cond3A_32 {
        %get3A_33 = arith.constant 0 : index
        %get3A_34 = arith.constant 0 : index
        %get3A_35 = vector.load %arg9[%get3A_33, %get3A_34] : memref<384x256xf32, #tpu.memory_space<vmem>>, vector<384x256xf32>
        %mul3A = arith.mulf %get3A_35, %get3A_35 : vector<384x256xf32>
        %reduce_sum3A = arith.constant dense<0.000000e+00> : vector<384xf32>
        %reduce_sum3A_36 = vector.multi_reduction <add>, %mul3A, %reduce_sum3A [1] : vector<384x256xf32> to vector<384xf32>
        %broadcast_in_dim3A = vector.shape_cast %reduce_sum3A_36 : vector<384xf32> to vector<384x1xf32>
        %sqrt3A = math.sqrt %broadcast_in_dim3A : vector<384x1xf32>
        %add3A = arith.constant 9.99999996E-13 : f32
        %add3A_37 = vector.broadcast %add3A : f32 to vector<384x1xf32>
        %add3A_38 = arith.addf %sqrt3A, %add3A_37 : vector<384x1xf32>
        %div3A = vector.broadcast %add3A_38 : vector<384x1xf32> to vector<384x256xf32>
        %div3A_39 = arith.divf %get3A_35, %div3A : vector<384x256xf32>
        %swap3A = arith.constant 0 : index
        %swap3A_40 = arith.constant 0 : index
        %swap3A_41 = vector.load %arg8[%swap3A, %swap3A_40] : memref<384x256xf32, #tpu.memory_space<vmem>>, vector<384x256xf32>
        tpu.vector_store %arg8[%swap3A, %swap3A_40], %div3A_39 {strides = array<i32>} : memref<384x256xf32, #tpu.memory_space<vmem>>, vector<384x256xf32>,
      } else {
      }
    } else {
    }
    return
  }
  func.func @transform_0(%arg0: i32, %arg1: i32) -> (i32, i32) {
    %lt3A = arith.constant 6 : i32
    %lt3A_0 = arith.cmpi slt, %arg0, %lt3A : i32
    %mul3A = arith.constant 4 : i32
    %mul3A_1 = arith.muli %arg0, %mul3A : i32
    %add3A = arith.addi %mul3A_1, %arg1 : i32
    %jit3A = arith.constant 23 : i32
    %select_n3A = arith.select %lt3A_0, %add3A, %jit3A : i32
    %c0_i32 = arith.constant 0 : i32
    %c0_i32_2 = arith.constant 0 : i32
    return %c0_i32, %select_n3A : i32, i32
  }
  func.func @transform_1(%arg0: i32, %arg1: i32) -> (i32, i32, i32) {
    %min3A = arith.constant 5 : i32
    %min3A_0 = arith.minsi %arg0, %min3A : i32
    %lt3A = arith.constant 6 : i32
    %lt3A_1 = arith.cmpi slt, %arg0, %lt3A : i32
    %jit3A = arith.constant 3 : i32
    %select_n3A = arith.select %lt3A_1, %arg1, %jit3A : i32
    %c0_i32 = arith.constant 0 : i32
    %c0_i32_2 = arith.constant 0 : i32
    return %min3A_0, %select_n3A, %c0_i32 : i32, i32, i32
  }
  func.func @transform_2(%arg0: i32, %arg1: i32) -> (i32, i32, i32) {
    %sub3A = arith.constant 1 : i32
    %sub3A_0 = arith.subi %arg0, %sub3A : i32
    %jit3A = arith.constant 0 : i32
    %jit3A_1 = arith.constant 5 : i32
    %max3A = arith.maxsi %jit3A, %sub3A_0 : i32
    %min3A = arith.minsi %jit3A_1, %max3A : i32
    %ge3A = arith.constant 1 : i32
    %ge3A_2 = arith.cmpi sge, %arg0, %ge3A : i32
    %le3A = arith.constant 6 : i32
    %le3A_3 = arith.cmpi sle, %arg0, %le3A : i32
    %and3A = arith.andi %ge3A_2, %le3A_3 : i1
    %jit3A_4 = arith.constant 0 : i32
    %select_n3A = arith.select %and3A, %arg1, %jit3A_4 : i32
    %c0_i32 = arith.constant 0 : i32
    %c0_i32_5 = arith.constant 0 : i32
    return %min3A, %select_n3A, %c0_i32 : i32, i32, i32
  }
  func.func @transform_3(%arg0: i32, %arg1: i32) -> (i32, i32, i32) {
    %sub3A = arith.constant 2 : i32
    %sub3A_0 = arith.subi %arg0, %sub3A : i32
    %jit3A = arith.constant 0 : i32
    %jit3A_1 = arith.constant 5 : i32
    %max3A = arith.maxsi %jit3A, %sub3A_0 : i32
    %min3A = arith.minsi %jit3A_1, %max3A : i32
    %ge3A = arith.constant 2 : i32
    %ge3A_2 = arith.cmpi sge, %arg0, %ge3A : i32
    %jit3A_3 = arith.constant 0 : i32
    %select_n3A = arith.select %ge3A_2, %arg1, %jit3A_3 : i32
    %c0_i32 = arith.constant 0 : i32
    %c0_i32_4 = arith.constant 0 : i32
    return %min3A, %c0_i32, %select_n3A : i32, i32, i32
  }
  func.func @transform_4(%arg0: i32, %arg1: i32) -> (i32, i32) {
    %sub3A = arith.constant 2 : i32
    %sub3A_0 = arith.subi %arg0, %sub3A : i32
    %jit3A = arith.constant 0 : i32
    %jit3A_1 = arith.constant 5 : i32
    %max3A = arith.maxsi %jit3A, %sub3A_0 : i32
    %min3A = arith.minsi %jit3A_1, %max3A : i32
    %ge3A = arith.constant 2 : i32
    %ge3A_2 = arith.cmpi sge, %arg0, %ge3A : i32
    %mul3A = arith.constant 4 : i32
    %mul3A_3 = arith.muli %min3A, %mul3A : i32
    %add3A = arith.addi %mul3A_3, %arg1 : i32
    %jit3A_4 = arith.constant 0 : i32
    %select_n3A = arith.select %ge3A_2, %add3A, %jit3A_4 : i32
    %c0_i32 = arith.constant 0 : i32
    %c0_i32_5 = arith.constant 0 : i32
    return %c0_i32, %select_n3A : i32, i32
  }
  func.func @transform_5(%arg0: i32, %arg1: i32) -> (i32, i32) {
    %c0_i32 = arith.constant 0 : i32
    %c0_i32_0 = arith.constant 0 : i32
    %c0_i32_1 = arith.constant 0 : i32
    return %c0_i32, %c0_i32_0 : i32, i32
  }
}

</mosaic_0001>

<sc_bundles>
// kernel: sparse-core-data-format-call.1.cloned.1.call-start
scs
called_computation.1_lowered:
.L_overlay_start_0:
0x0: {  	s2 =	sld [smem:$0x3FD9]  }
0x1: {  	s3 =	sld [smem:$0x3FFE];
	_ =	sdelay $0x1  }
0x2: {  	s1 =	srdreg.scid  }
0x3: {  	s0 =	sand.u32 $0x1, s1  }
0x4: {  	s18 =	sshll.u32 s0, $0xA;
	s2 =	sadd.s32 s3, s2  }
0x5: {  	s2 =	sadd.s32 s2, s18  }
0x6: {  	[smem:$0x3FC4] =	sst s2  }
0x7: {  	_ = 	snop  }
0x8: {  	s2 =	sld [smem:$0x3FC9];
	(tm) =	ssettm $0x1  }
0x9: {  	s19 =	sld [smem:$0x3FFB];
	_ =	sdelay $0x3  }
0xa: {  	_ =	strace s19  }
0xb: {  	s3 =	sld [smem:$0x3FFC];
	_ =	sdelay $0x3  }
0xc: {  	_ =	strace s3  }
0xd: {  	s3 =	sld [smem:$0x3FFD];
	_ =	sdelay $0x3  }
0xe: {  	_ =	strace s3  }
0xf: {  	_ =	strace $0x8FFFFFFF  }
0x10: {  	s20 =	sld [smem:$0x3FDB];
	_ =	sdelay $0x1  }
0x11: {  	s4 =	simm.s32 $_scs_section_size  }
0x12: {  	s5 =	simm.s32 $_size__tile_overlayer_lowered;
	s6 =	simm.s32 $_tile_overlayer_lowered  }
0x13: {  	s23 =	simm.s32 $0x1BFF;
	s22 =	sshll.u32 s6, $0x1;
	s3 =	sadd.s32 s4, s20  }
0x14: {  	s7 =	simm.s32 $0x0;
	s21 =	sshll.u32 s5, $0x1;
	s5 =	sadd.s32 s22, s3  }
0x15: {  	[timem:s7], [sflag:s23] =	dma.local [hbm:s5], s21  }
0x16: {  	_ =	swait.ge [sflag:s23], s21  }
0x17: {  	s4 =	ssub.s32 $0x0, s21;
	[sflag:s23] =	ssyncset.done $0x0  }
0x18: {  	[sflag:s23] =	ssyncadd.s32 s4;
	_ =	sdelay $0x1  }
0x19: {  	s24 =	simm.s32 $0x1B8B  }
0x1a: {  	_ =	swait.ge [sflag:s24], $0x1  }
0x1b: {  	[sflag:s24] =	ssyncset.done $0x0  }
0x1c: {  	s26 =	simm.s32 $0x1B8E;
	s25 =	sld [smem:$0x3FFE];
	[sflag:s24] =	ssyncadd.s32 $0xFFFFFFFF  }
0x1d: {  	s27 =	simm.s32 $execute0_lowered;
	[smem:$0x3FD2] =	sst s26  }
0x1e: {  	s5 =	sshll.u32 s27, $0x1;
	_ =	strace $0x80000046;
	[dreg:$0x1] =	wrdreg $0xFFFFFFFF  }
0x1f: {  	s28 =	simm.s32 $_size_execute0_lowered;
	s3 =	sadd.s32 s3, s5;
	[dreg:$0x0] =	wrdreg $0x0  }
0x20: {  	s5 =	sshll.u32 s28, $0x1;
	[dreg:$0x2] =	wrdreg s3  }
0x21: {  	[dreg:$0x3] =	wrdreg s5  }
0x22: {  	[dreg:$0x4] =	wrdreg $0xC0  }
0x23: {  	_ =	task [dreg:s7], $0x5FFFF  }
0x24: {  	[dreg:$0x1] =	wrdreg $0xFFFFFFFF  }
0x25: {  	[dreg:$0x0] =	wrdreg $0x60  }
0x26: {  	[dreg:$0x2] =	wrdreg s2  }
0x27: {  	[dreg:$0x3] =	wrdreg s25  }
0x28: {  	[dreg:$0x4] =	wrdreg $0x9  }
0x29: {  	_ =	task.clear_ibuf [dreg:s7], $0x5FFFF;
	_ =	strace $0x90000046  }
0x2a: {  	s29 =	simm.s32 $0x9;
	_ =	strace $0x80000048  }
0x2b: {  	_ =	swait.ge [sflag:s29], $0x1  }
0x2c: {  	[sflag:s29] =	ssyncadd.s32 $0xFFFFFFFF  }
0x2d: {  	_ =	strace $0x90000048  }
0x2e: {  	_ =	sfence  }
0x2f: {  	s30 =	sld [smem:$0x0];
	_ =	sdelay $0x2  }
0x30: {  	s31 =	sshll.u32 s1, $0xD;
	s1 =	sshrl.u32 s1, $0x2  }
0x31: {  	s3 =	sand.u32 $0x4000, s31;
	s1 =	sadd.s32 s1, s30  }
0x32: {  	s0 =	sor.u32 s3, s0;
	s1 =	sshll.u32 s1, $0x11  }
0x33: {  	s0 =	sor.u32 s1, s0  }
0x34: {  	s0 =	sadd.s32 $0x8F2B, s0  }
0x35: {  	[sflag:s0] =	ssyncadd.remote.s32 $0x1  }
0x36: {  	_ =	sfence.sel $0xFFFF  }
0x37: {  	[dreg:$0x0] =	wrdreg $0xFFFFFFFF;
	(pc) =	sbr.abs _section_cstart, $3  }
0x38: {  	[dreg:$0x1] =	wrdreg $0xFFFFFFFF  }
0x39: {  	_ =	task.clear_ibuf [dreg:s7], $0x2FFFF;
	_ =	strace $0x9FFFFFFF  }
0x3a: {  	(tm) =	ssettm $0x7FFFFFFF  }
0x3b: {  	_ =	shalt  }
tec
execute0_lowered:
.L_overlay_start_1:
0x0: {  	(tag) =	ssettag $0x1  }
0x1: {  	s2 =	rddreg [dreg:$0x0]  }
0x2: {  	s8 =	rddreg [dreg:$0x1]  }
0x3: {  	s0 =	rddreg [dreg:$0x2]  }
0x4: {  	s1 =	srdreg.scid;
	_ =	strace $0x80000047;
	s6 =	simm.s32 $0x2  }
0x5: {  	s19 =	simm.s32 $0x0;
	p0 =	por $0x0, $0x0;
	s9 =	simm.s32 $0x2400  }
0x6: {  	s10 =	simm.s32 $0x80;
	s17 =	simm.s32 $0x0;
	s16 =	simm.s32 $0x0  }
0x7: {  	s18 =	simm.s32 $0x0;
	s12 =	simm.s32 $0x0;
	s13 =	simm.s32 $0x0  }
.Ltmp0:
0x8: {  	s14 =	simm.s32 $0x0;
	s4 =	sshll.u32 s1, $0x4;
	(pc) =	sbr.rel .LBB1_1-.Ltmp0, $4  }
0x9: {  	s11 =	simm.s32 $0x0;
	s5 =	sand.u32 $0x10, s4;
	s4 =	simm.s32 $0x1  }
0xa: {  	s3 =	sadd.s32 $0xC00, s8;
	s1 =	stileid.u32;
	[sflag:s4] =	ssyncpa.u1 $0x0  }
0xb: {  	s7 =	sadd.s32 $0x3C00, s8;
	s5 =	sor.u32 s1, s5;
	[sflag:s6] =	ssyncpa.u1 $0x0  }
0xc: {  	s6 =	sadd.s32 $0x2400, s8;
	s8 =	sadd.s32 $0x5400, s8;
	s15 =	smov.u32 s5  }
.LBB1_3:
0xd: {  	p1 =	seq.s32 s11, $0x0  }
0xe: {  	p2 =	seq.s32 @!p1 s11, $0x25  }
0xf: {  	p1 =	por p1, p2  }
.Ltmp1:
0x10: {  	_ = 	snop;
	(pc) =	sbr.rel @!p1 .LBB1_4-.Ltmp1, $1  }
0x11: {  	_ =	sdelay $0x3  }
.LBB1_9:
0x12: {  	s20 =	sadd.s32 $0x80, s12  }
0x13: {  	s16 =	sadd.s32 $0x4, s13;
	s21 =	smov.u32 s13;
	p2 =	sgt.s32 s20, $0x17F  }
0x14: {  	s21 =	smov.u32 @p2 s16  }
0x15: {  	s22 =	smov.u32 s14;
	s16 =	sadd.s32 $0x20, s14;
	p3 =	sgt.s32 s21, $0x17  }
0x16: {  	s22 =	smov.u32 @p3 s16  }
0x17: {  	s23 =	smov.u32 s15;
	s16 =	sadd.s32 $0x20, s15;
	p4 =	sgt.s32 s22, $0x17  }
0x18: {  	p1 =	slt.u32 s11, $0x2;
	s23 =	smov.u32 @p4 s16  }
0x19: {  	s11 =	sadd.s32 $0x1, s11;
	s20 =	simm.s32 @p2 $0x0;
	p2 =	sgt.s32 s23, $0x3F  }
0x1a: {  	s19 =	smov.u32 s12;
	s23 =	smov.u32 @p2 s5;
	p2 =	sne.s32 s11, $0x26  }
.Ltmp2:
0x1b: {  	s17 =	smov.u32 s13;
	s24 =	simm.s32 @!p1 $0x2;
	(pc) =	sbr.rel @!p2 .LBB1_10-.Ltmp2, $4  }
0x1c: {  	s18 =	smov.u32 s15;
	p0 =	por !p0, !p0;
	_ =	swait.ge @!p1 [sflag:s24], $0x4000  }
0x1d: {  	[sflag:s24] =	ssyncset.done @!p1 $0x0;
	s12 =	smov.u32 s20;
	s21 =	simm.s32 @p3 $0x0  }
0x1e: {  	[sflag:s24] =	ssyncadd.s32 @!p1 $0xFFFFC000;
	s13 =	smov.u32 s21;
	s22 =	simm.s32 @p4 $0x0  }
0x1f: {  	s16 =	smov.u32 s14;
	s14 =	smov.u32 s22;
	s15 =	smov.u32 s23  }
.LBB1_1:
0x20: {  	p1 =	sgt.u32 s11, $0x23  }
.Ltmp3:
0x21: {  	_ = 	snop;
	(pc) =	sbr.rel @p1 .LBB1_3-.Ltmp3, $1  }
0x22: {  	_ =	sdelay $0x3  }
0x23: {  	s20 =	sshrl.u32 s13, $0x3  }
0x24: {  	s21 =	sshll.u32 s12, $0x3;
	s20 =	smul.u32 $0xC00, s20  }
0x25: {  	s22 =	sshll.u32 s13, $0x7;
	s21 =	sand.u32 $0xFFFFFC00, s21  }
0x26: {  	s27 =	sand.u32 $0x380, s22;
	s20 =	sadd.s32 s20, s21  }
0x27: {  	s28 =	sand.u32 $0x7F, s12;
	p1 =	sgt.s32 s15, $0x3F;
	s20 =	sor.u32 s27, s20  }
0x28: {  	s23 =	smov.u32 s15;
	s24 =	sshra.s32 s15, $0x1F;
	s21 =	sor.u32 s28, s20  }
0x29: {  	s25 =	sxor.u32 $0xFFFFFFFF, s11;
	s30 =	sshra.s32 s14, $0x1F;
	s22 =	smulhi.u32 $0xAAAAAAAB, s21  }
0x2a: {  	s26 =	sshra.s32 s13, $0x1F;
	s23 =	simm.s32 @!p1 $0x3F;
	s24 =	sand.u32 s24, s15  }
0x2b: {  	s23 =	ssub.s32 s23, s24;
	s20 =	smulhi.u32 $0xAAAAAAAB, s20;
	s22 =	sshrl.u32 s22, $0x8  }
0x2c: {  	s26 =	sand.u32 s26, s13;
	s29 =	sadd.s32 $0xFFFFFFC1, s23;
	s22 =	smul.u32 $0x180, s22  }
0x2d: {  	s24 =	sshll.u32 s25, $0xE;
	s25 =	sand.u32 s30, s14;
	p1 =	sgt.s32 s29, $0x0  }
0x2e: {  	s20 =	sshrl.u32 s20, $0x8;
	s21 =	ssub.s32 s21, s22;
	s22 =	ssub.s32 $0x40, s23  }
0x2f: {  	s23 =	smov.u32 s14;
	s22 =	simm.s32 @p1 $0x0;
	p1 =	sgt.s32 s14, $0xFFFFFFF8  }
0x30: {  	s29 =	sshra.s32 s12, $0x1F;
	s31 =	smulhi.u32 $0xAAAAAAB, s20;
	s23 =	simm.s32 @!p1 $0xFFFFFFF8  }
0x31: {  	p1 =	sgt.s32 s13, $0x14;
	s23 =	ssub.s32 s23, s25;
	s25 =	smov.u32 s13  }
0x32: {  	s27 =	sadd.s32 $0x8, s23;
	s25 =	simm.s32 @!p1 $0x14;
	s23 =	ssub.s32 $0x18, s23  }
0x33: {  	p1 =	sgt.s32 s27, $0x1F;
	s25 =	ssub.s32 s25, s26;
	s26 =	smul.u32 $0x18, s31  }
0x34: {  	s27 =	sand.u32 s29, s12;
	s23 =	simm.s32 @p1 $0x0;
	s28 =	sadd.s32 $0xFFFFFFEC, s25  }
0x35: {  	s22 =	smul.u32 s22, s23;
	p1 =	sgt.s32 s28, $0x3;
	s23 =	ssub.s32 $0x18, s25  }
0x36: {  	s25 =	smov.u32 s12;
	s23 =	simm.s32 @p1 $0x0;
	p1 =	sgt.s32 s12, $0x100  }
0x37: {  	s31 =	smul.u32 $0x6C00, s15;
	s20 =	ssub.s32 s20, s26;
	s25 =	simm.s32 @!p1 $0x100  }
0x38: {  	s20 =	smul.u32 $0x30, s20;
	s30 =	ssub.s32 s25, s27  }
0x39: {  	s22 =	smul.u32 s23, s22;
	s23 =	sand.u32 $0x4000, s24;
	s25 =	sadd.s32 $0xFFFFFF00, s30  }
0x3a: {  	s27 =	smul.u32 $0x480, s14;
	s24 =	ssub.s32 $0x180, s30;
	p1 =	sgt.s32 s25, $0x7F  }
.Ltmp4:
0x3b: {  	s26 =	sadd.s32 s2, s31;
	s24 =	simm.s32 @p1 $0x0;
	(pc) =	sbr.rel .LBB1_3-.Ltmp4, $4  }
0x3c: {  	s29 =	sand.u32 $0x7, s21;
	s28 =	sadd.s32 s27, s26;
	s22 =	smul.u32 s24, s22  }
0x3d: {  	s21 =	sshrl.u32 s21, $0x3;
	s30 =	sshll.u32 s29, $0x12;
	s20 =	sadd.s32 s20, s28  }
0x3e: {  	s31 =	sor.u32 $0x200, s30;
	s20 =	sadd.s32 s21, s20;
	s22 =	sand.u32 $0x3FFFFFFF, s22  }
0x3f: {  	[tilespmem:s23], [sflag:$0x1] =	stream.strided.gather [hbm4b:s20+s31], s22, s9, s31, $0x38;
	[tilespmem:$0x10400] =	vst v63  }
.LBB1_4:
0x40: {  	p1 =	sgt.s32 s18, $0x3F  }
0x41: {  	s20 =	smov.u32 s18;
	s21 =	sshra.s32 s18, $0x1F;
	s22 =	smov.u32 s16  }
0x42: {  	s23 =	sshra.s32 s16, $0x1F;
	s31 =	sshra.s32 s17, $0x1F;
	s26 =	sshra.s32 s19, $0x1F  }
0x43: {  	s20 =	simm.s32 @!p1 $0x3F;
	s21 =	sand.u32 s21, s18;
	p1 =	sgt.s32 s16, $0xFFFFFFF8  }
0x44: {  	s30 =	sand.u32 s23, s16;
	s20 =	ssub.s32 s20, s21;
	s22 =	simm.s32 @!p1 $0xFFFFFFF8  }
0x45: {  	s23 =	simm.s32 $0x1;
	s24 =	sadd.s32 $0xFFFFFFC1, s20;
	s21 =	ssub.s32 s22, s30  }
0x46: {  	s20 =	ssub.s32 $0x40, s20;
	p1 =	sgt.s32 s24, $0x0;
	s22 =	sadd.s32 $0x8, s21  }
0x47: {  	s21 =	ssub.s32 $0x18, s21;
	s20 =	simm.s32 @p1 $0x0;
	p1 =	sgt.s32 s22, $0x1F  }
0x48: {  	s22 =	smov.u32 s17;
	s21 =	simm.s32 @p1 $0x0;
	p1 =	sgt.s32 s17, $0x14  }
0x49: {  	s25 =	sand.u32 s31, s17;
	s20 =	smul.u32 s20, s21;
	s22 =	simm.s32 @!p1 $0x14  }
0x4a: {  	p1 =	sgt.s32 s19, $0x100;
	s21 =	ssub.s32 s22, s25;
	s22 =	smov.u32 s19  }
0x4b: {  	s24 =	sand.u32 s26, s19;
	s25 =	sadd.s32 $0xFFFFFFEC, s21;
	s22 =	simm.s32 @!p1 $0x100  }
0x4c: {  	s21 =	ssub.s32 $0x18, s21;
	p1 =	sgt.s32 s25, $0x3;
	s22 =	ssub.s32 s22, s24  }
0x4d: {  	s23 =	simm.s32 @!p0 $0x0;
	s21 =	simm.s32 @p1 $0x0;
	s24 =	sadd.s32 $0xFFFFFF00, s22  }
0x4e: {  	s20 =	smul.u32 s21, s20;
	p1 =	sgt.s32 s24, $0x7F;
	s21 =	ssub.s32 $0x180, s22  }
0x4f: {  	s27 =	smul.u32 $0x10800, s23;
	s21 =	simm.s32 @p1 $0x0  }
0x50: {  	s20 =	smul.u32 s21, s20  }
0x51: {  	s29 =	sand.u32 $0x1, s11;
	s23 =	sshll.u32 s23, $0xE  }
0x52: {  	s30 =	smul.u32 $0x10800, s29;
	s28 =	sshrl.u32 s27, $0x2;
	s20 =	sand.u32 $0x3FFFFFFF, s20  }
0x53: {  	s23 =	sor.u32 $0x40, s23;
	s22 =	sor.u32 $0x8000, s28;
	_ =	swait.ge [sflag:s4], s20  }
0x54: {  	s31 =	ssub.s32 $0x0, s20;
	s20 =	sshrl.u32 s30, $0x2;
	[sflag:s4] =	ssyncset.done $0x0  }
0x55: {  	s24 =	simm.s32 $0x0;
	s21 =	sor.u32 $0x8000, s20;
	[sflag:s4] =	ssyncadd.s32 s31  }
.LBB1_5:
0x56: {  	v0 =	vld [tilespmem:s23+$0x30]  }
0x57: {  	v1 =	vld [tilespmem:s23+$0xFFFFFFD0]  }
0x58: {  	v5 =	vld [tilespmem:s23+$0xFFFFFFE0]  }
0x59: {  	v6 =	vld [tilespmem:s23+$0xFFFFFFF0]  }
0x5a: {  	s25 =	sadd.s32 $0x0, s22;
	v2 =	vld [tilespmem:s23+$0x0]  }
0x5b: {  	v3 =	vld [tilespmem:s23+$0x10];
	[tilespmem:s25+$0xE70 ss:$0x21] =	vst.msk $0xffff, v0  }
0x5c: {  	v4 =	vld [tilespmem:s23+$0x20];
	[tilespmem:s25+$0x210 ss:$0x21] =	vst.msk $0xffff, v1  }
0x5d: {  	s26 =	sadd.s32 $0x80, s23;
	v0 =	vld [tilespmem:s23+$0xFFFFFFC0];
	[tilespmem:s25+$0x420 ss:$0x21] =	vst.msk $0xffff, v5  }
0x5e: {  	s27 =	simm.s32 $0x4200;
	s28 =	simm.s32 $0x8400;
	v1 =	vld [tilespmem:s26+$0x30];
	[tilespmem:s25+$0x630 ss:$0x21] =	vst.msk $0xffff, v6  }
.LBB1_6:
0x5f: {  	p1 =	sne.s32 s28, $0xC600;
	v5 =	vld [tilespmem:s26+$0xFFFFFFD0];
	[tilespmem:s25+$0x840 ss:$0x21] =	vst.msk $0xffff, v2  }
0x60: {  	v6 =	vld [tilespmem:s26+$0xFFFFFFE0];
	[tilespmem:s25+$0xA50 ss:$0x21] =	vst.msk $0xffff, v3  }
0x61: {  	s29 =	sshra.s32 s27, $0x2;
	s27 =	smov.u32 s28;
	v7 =	vld [tilespmem:s26+$0xFFFFFFF0];
	[tilespmem:s25+$0xC60 ss:$0x21] =	vst.msk $0xffff, v4  }
.Ltmp5:
0x62: {  	v2 =	vld [tilespmem:s26+$0x0];
	[tilespmem:s25+$0x0 ss:$0x21] =	vst.msk $0xffff, v0;
	s25 =	sadd.s32 s29, s22;
	(pc) =	sbr.rel @p1 .LBB1_6-.Ltmp5, $4  }
0x63: {  	v3 =	vld [tilespmem:s26+$0x10];
	[tilespmem:s25+$0xE70 ss:$0x21] =	vst.msk $0xffff, v1  }
0x64: {  	[tilespmem:s25+$0x210 ss:$0x21] =	vst.msk $0xffff, v5;
	v4 =	vld [tilespmem:s26+$0x20]  }
0x65: {  	v0 =	vld [tilespmem:s26+$0xFFFFFFC0];
	[tilespmem:s25+$0x420 ss:$0x21] =	vst.msk $0xffff, v6;
	s26 =	sadd.s32 $0x80, s26  }
0x66: {  	s28 =	sadd.s32 $0x4200, s28;
	v1 =	vld [tilespmem:s26+$0x30];
	[tilespmem:s25+$0x630 ss:$0x21] =	vst.msk $0xffff, v7  }
0x67: {  	v5 =	vld [tilespmem:s26+$0xFFFFFFD0];
	[tilespmem:s25+$0x840 ss:$0x21] =	vst.msk $0xffff, v2  }
0x68: {  	v58 =	vld [tilespmem:s26+$0xFFFFFFE0];
	[tilespmem:s25+$0xA50 ss:$0x21] =	vst.msk $0xffff, v3  }
0x69: {  	s27 =	sshra.s32 s27, $0x2;
	v59 =	vld [tilespmem:s26+$0xFFFFFFF0];
	[tilespmem:s25+$0xC60 ss:$0x21] =	vst.msk $0xffff, v4  }
0x6a: {  	v60 =	vld [tilespmem:s26+$0x0];
	s27 =	sadd.s32 s27, s22;
	[tilespmem:s25+$0x0 ss:$0x21] =	vst.msk $0xffff, v0  }
0x6b: {  	v61 =	vld [tilespmem:s26+$0x10];
	[tilespmem:s27+$0xE70 ss:$0x21] =	vst.msk $0xffff, v1  }
0x6c: {  	v62 =	vld [tilespmem:s26+$0x20];
	s24 =	sadd.s32 $0x1, s24;
	[tilespmem:s27+$0x210 ss:$0x21] =	vst.msk $0xffff, v5  }
0x6d: {  	v63 =	vld [tilespmem:s26+$0xFFFFFFC0];
	p1 =	sne.s32 s24, $0x20;
	[tilespmem:s27+$0x420 ss:$0x21] =	vst.msk $0xffff, v58  }
.Ltmp6:
0x6e: {  	[tilespmem:s27+$0x630 ss:$0x21] =	vst.msk $0xffff, v59;
	(pc) =	sbr.rel @p1 .LBB1_5-.Ltmp6, $4  }
0x6f: {  	[tilespmem:s27+$0x840 ss:$0x21] =	vst.msk $0xffff, v60  }
0x70: {  	[tilespmem:s27+$0xA50 ss:$0x21] =	vst.msk $0xffff, v61  }
0x71: {  	[tilespmem:s27+$0xC60 ss:$0x21] =	vst.msk $0xffff, v62  }
0x72: {  	s23 =	sadd.s32 $0x200, s23;
	s22 =	sadd.s32 $0x1, s22;
	[tilespmem:s27+$0x0 ss:$0x21] =	vst.msk $0xffff, v63  }
0x73: {  	s19 =	sshll.u32 s19, $0x7;
	s22 =	sshll.u32 s16, $0x3  }
0x74: {  	s23 =	sand.u32 $0xFFFFFC00, s19;
	s22 =	sand.u32 $0xFFFFFC00, s22  }
0x75: {  	s19 =	sand.u32 $0x380, s19;
	s22 =	sadd.s32 s22, s23  }
0x76: {  	s19 =	sor.u32 s19, s22  }
0x77: {  	s18 =	smul.u32 $0x24000, s18;
	s19 =	sshrl.u32 s19, $0x7  }
0x78: {  	s23 =	smulhi.u32 $0xAAAAAB, s19  }
0x79: {  	s17 =	smul.u32 $0x1800, s17  }
0x7a: {  	s22 =	smul.u32 $0x180, s23  }
0x7b: {  	s24 =	sshrl.u32 s16, $0x3;
	s26 =	sand.u32 $0x7, s16;
	s25 =	sadd.s32 s18, s17  }
0x7c: {  	s23 =	sadd.s32 s3, s25;
	s19 =	ssub.s32 s19, s22;
	s22 =	sand.u32 $0xF, s24  }
0x7d: {  	s16 =	sshll.u32 s26, $0x12;
	s19 =	sshll.u32 s19, $0x4;
	s23 =	sadd.s32 s22, s23  }
0x7e: {  	s16 =	sor.u32 $0x20, s16;
	s27 =	sadd.s32 s18, s6;
	s23 =	sadd.s32 s19, s23  }
0x7f: {  	[hbm4b:s23+s16] =	stream.strided.scatter [tilespmem:s21], [sflag:$0x2], $0x1000, s10, s16, $0x10;
	[tilespmem:$0x10400] =	vst v63  }
0x80: {  	s21 =	sadd.s32 s17, s27  }
0x81: {  	s21 =	sadd.s32 s22, s21  }
0x82: {  	s28 =	sadd.s32 $0x9080, s20;
	s29 =	sadd.s32 s18, s7;
	s21 =	sadd.s32 s19, s21  }
0x83: {  	[hbm4b:s21+s16] =	stream.strided.scatter [tilespmem:s28], [sflag:$0x2], $0x1000, s10, s16, $0x10;
	[tilespmem:$0x10400] =	vst v63  }
0x84: {  	s18 =	sadd.s32 s18, s8;
	s21 =	sadd.s32 s17, s29  }
.Ltmp7:
0x85: {  	s17 =	sadd.s32 s17, s18;
	s21 =	sadd.s32 s22, s21;
	(pc) =	sbr.rel .LBB1_9-.Ltmp7, $4  }
0x86: {  	s30 =	sadd.s32 $0xA100, s20;
	s17 =	sadd.s32 s22, s17;
	s21 =	sadd.s32 s19, s21  }
0x87: {  	[hbm4b:s21+s16] =	stream.strided.scatter [tilespmem:s30], [sflag:$0x2], $0x1000, s10, s16, $0x10;
	[tilespmem:$0x10400] =	vst v63  }
0x88: {  	s31 =	sadd.s32 $0xB180, s20;
	s17 =	sadd.s32 s19, s17  }
0x89: {  	[hbm4b:s17+s16] =	stream.strided.scatter [tilespmem:s31], [sflag:$0x2], $0x1000, s10, s16, $0x10;
	[tilespmem:$0x10400] =	vst v63  }
.LBB1_10:
0x8a: {  	_ =	sfence.sel $0x180000  }
0x8b: {  	s2 =	simm.s32 $0x1;
	[bflag:$0x0] =	sbarrier.arrive $0xFFFF  }
0x8c: {  	s31 =	simm.s32 $0x2;
	[sflag:s2] =	ssyncpa.u1 $0x1  }
0x8d: {  	[sflag:s31] =	ssyncpa.u1 $0x1  }
0x8e: {  	p0 =	sne.s32 s1, $0x0;
	_ =	strace $0x90000047  }
0x8f: {  	s0 =	sadd.s32 @!p0 $0x100000, s0;
	[bflag:$0x2] =	sbarrier.arrive $0xFFFF  }
0x90: {  	[sflag:s0] =	ssyncadd.tile.s32 @!p0 $0x1;
	_ =	shalt  }
.Lfunc_end1:
_tile_overlayer_lowered:
.L_overlay_start_2:
0x91: {  	(tag) =	ssettag $0x2  }
0x92: {  	s0 =	rddreg [dreg:$0x0];
	s2 =	stileid.u32  }
0x93: {  	s1 =	rddreg [dreg:$0x1];
	p0 =	sne.s32 s2, $0x0  }
0x94: {  	s3 =	rddreg [dreg:$0x2];
	[bflag:$0x3] =	sbarrier.arrive $0xFFFF;
	s2 =	simm.s32 @!p0 $0x1C01  }
0x95: {  	[timem:s3], [sflag:s2] =	dma.local @!p0 [hbm:s0], s1  }
0x96: {  	s0 =	simm.s32 @!p0 $0x1  }
0x97: {  	_ =	swait.ge @!p0 [sflag:s0], s1  }
0x98: {  	s1 =	ssub.s32 @!p0 $0x0, s1;
	[sflag:s0] =	ssyncset.done @!p0 $0x0  }
0x99: {  	[sflag:s0] =	ssyncadd.s32 @!p0 s1  }
0x9a: {  	[bflag:$0x3] =	sbarrier.arrive $0xFFFF  }
0x9b: {  	_ =	shalt  }

// kernel: sparse-core-data-format-call.cloned.1.call-start
scs
called_computation_lowered:
.L_overlay_start_0:
0x0: {  	s2 =	sld [smem:$0x3FD9]  }
0x1: {  	s3 =	sld [smem:$0x3FFE];
	_ =	sdelay $0x1  }
0x2: {  	s1 =	srdreg.scid  }
0x3: {  	s0 =	sand.u32 $0x1, s1  }
0x4: {  	s15 =	sshll.u32 s0, $0xA;
	s2 =	sadd.s32 s3, s2  }
0x5: {  	s2 =	sadd.s32 s2, s15  }
0x6: {  	[smem:$0x3FC4] =	sst s2  }
0x7: {  	_ = 	snop  }
0x8: {  	s2 =	sld [smem:$0x3FD0];
	_ =	sdelay $0x2  }
0x9: {  	s16 =	simm.s32 $0xA;
	s4 =	simm.s32 $0x10  }
0xa: {  	[smem:s4], [sflag:s16] =	dma.local [hbm:s2], $0x1  }
0xb: {  	_ =	swait.eq [sflag:s16], $0x1  }
0xc: {  	[sflag:s16] =	ssyncset.done $0x0  }
0xd: {  	[sflag:s16] =	ssyncadd.s32 $0xFFFFFFFF  }
0xe: {  	s17 =	sld [smem:$0x10];
	(tm) =	ssettm $0x1  }
0xf: {  	s18 =	sld [smem:$0x3FFB];
	_ =	sdelay $0x3  }
0x10: {  	_ =	strace s18  }
0x11: {  	s3 =	sld [smem:$0x3FFC];
	_ =	sdelay $0x3  }
0x12: {  	_ =	strace s3  }
0x13: {  	s3 =	sld [smem:$0x3FFD];
	_ =	sdelay $0x3  }
0x14: {  	_ =	strace s3  }
0x15: {  	_ =	strace $0x8FFFFFFF  }
0x16: {  	s19 =	sld [smem:$0x3FDB];
	_ =	sdelay $0x1  }
0x17: {  	s20 =	simm.s32 $_scs_section_size  }
0x18: {  	s5 =	simm.s32 $_size__tile_overlayer_lowered;
	s6 =	simm.s32 $_tile_overlayer_lowered  }
0x19: {  	s23 =	simm.s32 $0x1BFF;
	s22 =	sshll.u32 s6, $0x1;
	s3 =	sadd.s32 s20, s19  }
0x1a: {  	s7 =	simm.s32 $0x0;
	s21 =	sshll.u32 s5, $0x1;
	s5 =	sadd.s32 s22, s3  }
0x1b: {  	[timem:s7], [sflag:s23] =	dma.local [hbm:s5], s21  }
0x1c: {  	_ =	swait.ge [sflag:s23], s21  }
0x1d: {  	s4 =	ssub.s32 $0x0, s21;
	[sflag:s23] =	ssyncset.done $0x0  }
0x1e: {  	[sflag:s23] =	ssyncadd.s32 s4;
	_ =	sdelay $0x1  }
0x1f: {  	s24 =	simm.s32 $0x1B8B  }
0x20: {  	_ =	swait.ge [sflag:s24], $0x1  }
0x21: {  	[sflag:s24] =	ssyncset.done $0x0  }
0x22: {  	s26 =	simm.s32 $0x1B8E;
	s25 =	sld [smem:$0x3FFE];
	[sflag:s24] =	ssyncadd.s32 $0xFFFFFFFF  }
0x23: {  	s27 =	simm.s32 $execute0_lowered;
	[smem:$0x3FD2] =	sst s26  }
0x24: {  	s5 =	sshll.u32 s27, $0x1;
	_ =	strace $0x80000049;
	[dreg:$0x1] =	wrdreg $0xFFFFFFFF  }
0x25: {  	s28 =	simm.s32 $_size_execute0_lowered;
	s3 =	sadd.s32 s3, s5;
	[dreg:$0x0] =	wrdreg $0x0  }
0x26: {  	s5 =	sshll.u32 s28, $0x1;
	[dreg:$0x2] =	wrdreg s3  }
0x27: {  	[dreg:$0x3] =	wrdreg s5  }
0x28: {  	[dreg:$0x4] =	wrdreg $0xC0  }
0x29: {  	_ =	task [dreg:s7], $0x5FFFF  }
0x2a: {  	[dreg:$0x1] =	wrdreg $0xFFFFFFFF  }
0x2b: {  	[dreg:$0x0] =	wrdreg $0x60  }
0x2c: {  	[dreg:$0x2] =	wrdreg s25  }
0x2d: {  	[dreg:$0x3] =	wrdreg s17  }
0x2e: {  	[dreg:$0x4] =	wrdreg $0x9  }
0x2f: {  	_ =	task.clear_ibuf [dreg:s7], $0x5FFFF;
	_ =	strace $0x90000049  }
0x30: {  	s29 =	simm.s32 $0x9;
	_ =	strace $0x8000004B  }
0x31: {  	_ =	swait.ge [sflag:s29], $0x1  }
0x32: {  	[sflag:s29] =	ssyncadd.s32 $0xFFFFFFFF  }
0x33: {  	_ =	strace $0x9000004B  }
0x34: {  	_ =	sfence  }
0x35: {  	s30 =	sld [smem:$0x0];
	_ =	sdelay $0x2  }
0x36: {  	s31 =	sshll.u32 s1, $0xD;
	s1 =	sshrl.u32 s1, $0x2  }
0x37: {  	s3 =	sand.u32 $0x4000, s31;
	s1 =	sadd.s32 s1, s30  }
0x38: {  	s0 =	sor.u32 s3, s0;
	s1 =	sshll.u32 s1, $0x11  }
0x39: {  	s0 =	sor.u32 s1, s0  }
0x3a: {  	s0 =	sadd.s32 $0x8F2B, s0  }
0x3b: {  	[sflag:s0] =	ssyncadd.remote.s32 $0x1  }
0x3c: {  	_ =	sfence.sel $0xFFFF  }
0x3d: {  	[dreg:$0x0] =	wrdreg $0xFFFFFFFF;
	(pc) =	sbr.abs _section_cstart, $3  }
0x3e: {  	[dreg:$0x1] =	wrdreg $0xFFFFFFFF  }
0x3f: {  	_ =	task.clear_ibuf [dreg:s7], $0x2FFFF;
	_ =	strace $0x9FFFFFFF  }
0x40: {  	(tm) =	ssettm $0x7FFFFFFF  }
0x41: {  	_ =	shalt  }
tec
execute0_lowered:
.L_overlay_start_1:
0x0: {  	(tag) =	ssettag $0x1  }
0x1: {  	s8 =	rddreg [dreg:$0x0]  }
0x2: {  	s2 =	rddreg [dreg:$0x1]  }
0x3: {  	s0 =	rddreg [dreg:$0x2]  }
0x4: {  	s1 =	srdreg.scid;
	_ =	strace $0x8000004A;
	s6 =	simm.s32 $0x2  }
0x5: {  	s17 =	simm.s32 $0x0;
	p0 =	por $0x0, $0x0;
	s9 =	simm.s32 $0x2400  }
0x6: {  	s18 =	simm.s32 $0x0;
	s19 =	simm.s32 $0x0;
	s10 =	simm.s32 $0x0  }
0x7: {  	s12 =	simm.s32 $0x0;
	s13 =	simm.s32 $0x0;
	s14 =	simm.s32 $0x0  }
.Ltmp0:
0x8: {  	s15 =	simm.s32 $0x0;
	s4 =	sshll.u32 s1, $0x4;
	(pc) =	sbr.rel .LBB1_1-.Ltmp0, $4  }
0x9: {  	s11 =	simm.s32 $0x0;
	s5 =	sand.u32 $0x10, s4;
	s4 =	simm.s32 $0x1  }
0xa: {  	s3 =	sadd.s32 $0x1B0C00, s8;
	s1 =	stileid.u32;
	[sflag:s4] =	ssyncpa.u1 $0x0  }
0xb: {  	s7 =	sadd.s32 $0x1B3C00, s8;
	s5 =	sor.u32 s1, s5;
	[sflag:s6] =	ssyncpa.u1 $0x0  }
0xc: {  	s6 =	sadd.s32 $0x1B2400, s8;
	s8 =	sadd.s32 $0x1B5400, s8;
	s16 =	smov.u32 s5  }
.LBB1_7:
0xd: {  	p1 =	slt.u32 s11, $0x2  }
0xe: {  	s20 =	smov.u32 s19;
	p2 =	sgt.s32 @!p1 s19, $0x3F;
	s21 =	sshra.s32 @!p1 s19, $0x1F  }
0xf: {  	p3 =	sgt.s32 @!p1 s17, $0x100;
	p2 =	por !p2, p1;
	s19 =	sand.u32 @!p1 s21, s19  }
0x10: {  	s21 =	sshra.s32 @!p1 s18, $0x1F;
	s20 =	simm.s32 @p2 $0x3F;
	p2 =	sgt.s32 @!p1 s18, $0x14  }
0x11: {  	s19 =	ssub.s32 @!p1 s20, s19;
	p2 =	por !p2, p1;
	s20 =	smov.u32 s18  }
0x12: {  	p3 =	por !p3, p1;
	s18 =	sand.u32 @!p1 s21, s18;
	s20 =	simm.s32 @p2 $0x14  }
0x13: {  	s21 =	sadd.s32 @!p1 $0xFFFFFFC1, s19;
	s19 =	ssub.s32 @!p1 $0x40, s19;
	s18 =	ssub.s32 @!p1 s20, s18  }
0x14: {  	p2 =	sgt.s32 @!p1 s21, $0x0;
	s21 =	smov.u32 s17;
	s20 =	sadd.s32 @!p1 $0xFFFFFFEC, s18  }
0x15: {  	s21 =	simm.s32 @p3 $0x100;
	p3 =	sgt.s32 @!p1 s20, $0x3;
	s20 =	sshra.s32 @!p1 s17, $0x1F  }
0x16: {  	s19 =	smul.u32 @!p1 $0x18, s19;
	p2 =	por !p2, p1;
	s17 =	sand.u32 @!p1 s20, s17  }
0x17: {  	s18 =	ssub.s32 @!p1 $0x18, s18;
	p3 =	por !p3, p1;
	s17 =	ssub.s32 @!p1 s21, s17  }
0x18: {  	s19 =	simm.s32 @!p2 $0x0;
	s18 =	simm.s32 @!p3 $0x0;
	s20 =	sadd.s32 @!p1 $0xFFFFFF00, s17  }
0x19: {  	s21 =	smov.u32 s15;
	s18 =	smul.u32 @!p1 s18, s19;
	p2 =	sgt.s32 @!p1 s20, $0x7F  }
0x1a: {  	s17 =	ssub.s32 @!p1 $0x180, s17;
	s20 =	sadd.s32 $0x80, s14;
	p2 =	por !p2, p1  }
0x1b: {  	s19 =	sadd.s32 $0x4, s15;
	s17 =	simm.s32 @!p2 $0x0;
	p2 =	sgt.s32 s20, $0x17F  }
0x1c: {  	s22 =	smov.u32 s16;
	s21 =	smov.u32 @p2 s19  }
0x1d: {  	s17 =	smul.u32 @!p1 s17, s18;
	s18 =	sadd.s32 $0x20, s16;
	p3 =	sgt.s32 s21, $0x17  }
0x1e: {  	s11 =	sadd.s32 $0x1, s11;
	p0 =	por !p0, !p0;
	s22 =	smov.u32 @p3 s18  }
0x1f: {  	s23 =	simm.s32 @!p1 $0x2;
	s20 =	simm.s32 @p2 $0x0;
	p2 =	sgt.s32 s22, $0x3F  }
0x20: {  	s19 =	smov.u32 s13;
	s22 =	smov.u32 @p2 s5;
	p2 =	sne.s32 s11, $0x26  }
.Ltmp1:
0x21: {  	s13 =	smov.u32 s16;
	s17 =	sand.u32 @!p1 $0x3FFFFFF8, s17;
	(pc) =	sbr.rel @!p2 .LBB1_8-.Ltmp1, $4  }
0x22: {  	s21 =	simm.s32 @p3 $0x0;
	s18 =	smov.u32 s12;
	s12 =	smov.u32 s15  }
0x23: {  	_ =	swait.ge @!p1 [sflag:s23], s17;
	s24 =	ssub.s32 @!p1 $0x0, s17;
	s17 =	smov.u32 s10  }
0x24: {  	s10 =	smov.u32 s14;
	s14 =	smov.u32 s20;
	[sflag:s23] =	ssyncset.done @!p1 $0x0  }
0x25: {  	s15 =	smov.u32 s21;
	[sflag:s23] =	ssyncadd.s32 @!p1 s24;
	s16 =	smov.u32 s22  }
.LBB1_1:
0x26: {  	p1 =	sgt.u32 s11, $0x23  }
0x27: {  	s20 =	sand.u32 @!p1 $0x1FFFFFF, s14  }
0x28: {  	s21 =	smulhi.u32 @!p1 $0xAAAAAB, s20  }
0x29: {  	s22 =	smul.u32 @!p1 $0x24000, s16  }
0x2a: {  	s21 =	smul.u32 @!p1 $0x180, s21  }
0x2b: {  	s23 =	sxor.u32 @!p1 $0xFFFFFFFF, s11;
	s24 =	smul.u32 @!p1 $0x1800, s15  }
0x2c: {  	s25 =	simm.s32 @!p1 $0x20;
	s20 =	ssub.s32 @!p1 s20, s21;
	s21 =	sadd.s32 @!p1 s3, s22  }
0x2d: {  	s23 =	sshll.u32 @!p1 s23, $0xE;
	s20 =	sshll.u32 @!p1 s20, $0x4;
	s21 =	sadd.s32 @!p1 s24, s21  }
0x2e: {  	s26 =	simm.s32 @!p1 $0x80;
	s23 =	sand.u32 @!p1 $0x4000, s23;
	s21 =	sadd.s32 @!p1 s20, s21  }
0x2f: {  	[tilespmem:s23], [sflag:$0x1] =	stream.strided.gather @!p1 [hbm4b:s21+s25], $0x1000, s26, s25, $0x38;
	[tilespmem:$0x10100] =	vst v63  }
0x30: {  	s21 =	sadd.s32 @!p1 s22, s6  }
0x31: {  	s21 =	sadd.s32 @!p1 s24, s21  }
0x32: {  	s27 =	sor.u32 @!p1 $0x1000, s23;
	s21 =	sadd.s32 @!p1 s20, s21  }
0x33: {  	[tilespmem:s27], [sflag:$0x1] =	stream.strided.gather @!p1 [hbm4b:s21+s25], $0x1000, s26, s25, $0x38;
	[tilespmem:$0x10100] =	vst v63  }
0x34: {  	s21 =	sadd.s32 @!p1 s22, s7  }
0x35: {  	s21 =	sadd.s32 @!p1 s24, s21  }
0x36: {  	s27 =	sor.u32 @!p1 $0x2000, s23;
	s21 =	sadd.s32 @!p1 s20, s21  }
0x37: {  	[tilespmem:s27], [sflag:$0x1] =	stream.strided.gather @!p1 [hbm4b:s21+s25], $0x1000, s26, s25, $0x38;
	[tilespmem:$0x10100] =	vst v63  }
0x38: {  	s21 =	sadd.s32 @!p1 s22, s8  }
0x39: {  	s21 =	sadd.s32 @!p1 s24, s21  }
0x3a: {  	s20 =	sadd.s32 @!p1 s20, s21;
	s21 =	sor.u32 @!p1 $0x3000, s23  }
0x3b: {  	[tilespmem:s21], [sflag:$0x1] =	stream.strided.gather @!p1 [hbm4b:s20+s25], $0x1000, s26, s25, $0x38;
	[tilespmem:$0x10100] =	vst v63  }
0x3c: {  	p1 =	seq.s32 s11, $0x0  }
0x3d: {  	p2 =	seq.s32 @!p1 s11, $0x25  }
0x3e: {  	p1 =	por p1, p2  }
.Ltmp2:
0x3f: {  	_ = 	snop;
	(pc) =	sbr.rel @p1 .LBB1_7-.Ltmp2, $1  }
0x40: {  	_ =	sdelay $0x3  }
0x41: {  	s20 =	simm.s32 $0x1;
	s22 =	sand.u32 $0x1, s11  }
0x42: {  	_ =	swait.ge [sflag:s4], $0x4000;
	s20 =	simm.s32 @!p0 $0x0;
	s23 =	smul.u32 $0x10200, s22  }
0x43: {  	[sflag:s4] =	ssyncset.done $0x0;
	s21 =	smul.u32 $0x10200, s20  }
0x44: {  	s20 =	sshll.u32 s20, $0xE;
	[sflag:s4] =	ssyncadd.s32 $0xFFFFC000  }
0x45: {  	s22 =	sor.u32 $0x10, s20;
	s31 =	sshrl.u32 s23, $0x2;
	s21 =	sshrl.u32 s21, $0x2  }
0x46: {  	s23 =	simm.s32 $0x0;
	s20 =	sor.u32 $0x8000, s31;
	s21 =	sor.u32 $0x8000, s21  }
.LBB1_3:
0x47: {  	v1 =	vld [tilespmem:s22+$0x0]  }
0x48: {  	v0 =	vld [tilespmem:s22+$0xFFFFFFF0];
	_ =	sdelay $0x2  }
0x49: {  	s26 =	sadd.s32 $0x0, s21  }
0x4a: {  	s24 =	simm.s32 $0x4;
	s25 =	sadd.s32 $0x20, s22;
	[tilespmem:s26+$0x2040 ss:$0x204] =	vst.msk $0xffff, v1  }
.LBB1_4:
0x4b: {  	v1 =	vld [tilespmem:s25+$0x0];
	p1 =	sne.s32 s24, $0x1FC;
	[tilespmem:s26+$0x0 ss:$0x204] =	vst.msk $0xffff, v0;
	s26 =	smov.u32 s24;
	s24 =	sadd.s32 $0x4, s24  }
.Ltmp3:
0x4c: {  	v0 =	vld [tilespmem:s25+$0xFFFFFFF0];
	(pc) =	sbr.rel @p1 .LBB1_4-.Ltmp3, $4  }
0x4d: {  	_ = 	snop  }
0x4e: {  	s26 =	sshra.s32 s26, $0x2  }
0x4f: {  	s26 =	sadd.s32 s26, s21  }
0x50: {  	s25 =	sadd.s32 $0x20, s25;
	[tilespmem:s26+$0x2040 ss:$0x204] =	vst.msk $0xffff, v1  }
0x51: {  	s23 =	sadd.s32 $0x1, s23  }
0x52: {  	p1 =	sne.s32 s23, $0x4  }
.Ltmp4:
0x53: {  	_ = 	snop;
	(pc) =	sbr.rel @p1 .LBB1_3-.Ltmp4, $2  }
0x54: {  	_ =	sdelay $0x2  }
0x55: {  	[tilespmem:s26+$0x0 ss:$0x204] =	vst.msk $0xffff, v0;
	s21 =	sadd.s32 $0x81, s21;
	s22 =	sadd.s32 $0x1000, s22  }
0x56: {  	s21 =	sshrl.u32 s12, $0x3;
	s22 =	sshll.u32 s10, $0x3;
	s23 =	sshll.u32 s12, $0x7  }
0x57: {  	s30 =	sand.u32 $0x7F, s10;
	p1 =	sgt.s32 s13, $0x3F;
	s24 =	smov.u32 s13  }
0x58: {  	s25 =	sshra.s32 s13, $0x1F;
	s26 =	smov.u32 s12;
	s27 =	sshra.s32 s12, $0x1F  }
0x59: {  	s21 =	smul.u32 $0xC00, s21;
	s22 =	sand.u32 $0xFFFFFC00, s22;
	s29 =	sand.u32 $0x380, s23  }
0x5a: {  	s24 =	simm.s32 @!p1 $0x3F;
	s25 =	sand.u32 s25, s13;
	p1 =	sgt.s32 s12, $0x14  }
0x5b: {  	s27 =	sand.u32 s27, s12;
	s24 =	ssub.s32 s24, s25;
	s26 =	simm.s32 @!p1 $0x14  }
0x5c: {  	s21 =	sadd.s32 s21, s22;
	s25 =	sadd.s32 $0xFFFFFFC1, s24;
	s24 =	ssub.s32 $0x40, s24  }
0x5d: {  	s31 =	ssub.s32 s26, s27;
	s21 =	sor.u32 s29, s21;
	s24 =	smul.u32 $0x18, s24  }
0x5e: {  	s27 =	smov.u32 s10;
	s22 =	sor.u32 s30, s21;
	s21 =	smulhi.u32 $0xAAAAAAAB, s21  }
0x5f: {  	p1 =	sgt.s32 s25, $0x0;
	s26 =	sadd.s32 $0xFFFFFFEC, s31;
	s29 =	sshra.s32 s10, $0x1F  }
0x60: {  	s25 =	ssub.s32 $0x18, s31;
	s23 =	smulhi.u32 $0xAAAAAAAB, s22;
	s21 =	sshrl.u32 s21, $0x8  }
0x61: {  	s24 =	simm.s32 @p1 $0x0;
	p1 =	sgt.s32 s10, $0x100;
	s28 =	smulhi.u32 $0xAAAAAAB, s21  }
0x62: {  	s31 =	smul.u32 $0x6C00, s13;
	s27 =	simm.s32 @!p1 $0x100;
	p1 =	sgt.s32 s26, $0x3  }
0x63: {  	s26 =	sand.u32 s29, s10;
	s23 =	sshrl.u32 s23, $0x8;
	s28 =	smul.u32 $0x18, s28  }
0x64: {  	s26 =	ssub.s32 s27, s26;
	s25 =	simm.s32 @p1 $0x0;
	s23 =	smul.u32 $0x180, s23  }
0x65: {  	s24 =	smul.u32 s25, s24;
	s30 =	sadd.s32 $0xFFFFFF00, s26;
	s21 =	ssub.s32 s21, s28  }
0x66: {  	s25 =	ssub.s32 $0x180, s26;
	p1 =	sgt.s32 s30, $0x7F;
	s21 =	smul.u32 $0x30, s21  }
.Ltmp5:
0x67: {  	s22 =	ssub.s32 s22, s23;
	s25 =	simm.s32 @p1 $0x0;
	(pc) =	sbr.rel .LBB1_7-.Ltmp5, $4  }
0x68: {  	s27 =	smul.u32 s25, s24;
	s28 =	sadd.s32 s2, s31;
	s29 =	sand.u32 $0x7, s22  }
0x69: {  	s22 =	sshrl.u32 s22, $0x3;
	s30 =	sshll.u32 s29, $0x12;
	s21 =	sadd.s32 s21, s28  }
0x6a: {  	s23 =	sand.u32 $0x3FFFFFF8, s27;
	s31 =	sor.u32 $0x200, s30;
	s21 =	sadd.s32 s22, s21  }
0x6b: {  	[hbm4b:s21+s31] =	stream.strided.scatter [tilespmem:s20], [sflag:$0x2], s23, s9, s31, $0x20;
	[tilespmem:$0x10100] =	vst v63  }
.LBB1_8:
0x6c: {  	_ =	sfence.sel $0x180000  }
0x6d: {  	s2 =	simm.s32 $0x1;
	[bflag:$0x0] =	sbarrier.arrive $0xFFFF  }
0x6e: {  	s31 =	simm.s32 $0x2;
	[sflag:s2] =	ssyncpa.u1 $0x1  }
0x6f: {  	[sflag:s31] =	ssyncpa.u1 $0x1  }
0x70: {  	p0 =	sne.s32 s1, $0x0;
	_ =	strace $0x9000004A  }
0x71: {  	s0 =	sadd.s32 @!p0 $0x100000, s0;
	[bflag:$0x2] =	sbarrier.arrive $0xFFFF  }
0x72: {  	[sflag:s0] =	ssyncadd.tile.s32 @!p0 $0x1;
	_ =	shalt  }
.Lfunc_end1:
_tile_overlayer_lowered:
.L_overlay_start_2:
0x73: {  	(tag) =	ssettag $0x2  }
0x74: {  	s0 =	rddreg [dreg:$0x0];
	s2 =	stileid.u32  }
0x75: {  	s1 =	rddreg [dreg:$0x1];
	p0 =	sne.s32 s2, $0x0  }
0x76: {  	s3 =	rddreg [dreg:$0x2];
	[bflag:$0x3] =	sbarrier.arrive $0xFFFF;
	s2 =	simm.s32 @!p0 $0x1C01  }
0x77: {  	[timem:s3], [sflag:s2] =	dma.local @!p0 [hbm:s0], s1  }
0x78: {  	s0 =	simm.s32 @!p0 $0x1  }
0x79: {  	_ =	swait.ge @!p0 [sflag:s0], s1  }
0x7a: {  	s1 =	ssub.s32 @!p0 $0x0, s1;
	[sflag:s0] =	ssyncset.done @!p0 $0x0  }
0x7b: {  	[sflag:s0] =	ssyncadd.s32 @!p0 s1  }
0x7c: {  	[bflag:$0x3] =	sbarrier.arrive $0xFFFF  }
0x7d: {  	_ =	shalt  }

</sc_bundles>
